<compile_context>
chip_gen: v7x
topology: tpu7x:2x2x1
jax: 0.10.2.dev20260603
libtpu: 0.0.44.dev20260713+nightly
codegen_flags: <defaults>
</compile_context>

<pallas_src>
import functools
import math

import jax
import jax.numpy as jnp
from jax.experimental import pallas as pl
from jax.experimental.pallas import tpu as pltpu

_TB = 256
_NSPLIT = 4


def _top1_kernel(x_ref, wg_ref, laux_ref, comb_hbm, pack_ref,
                 counts_ref, gsum_ref, comb_buf, sems,
                 *, num_tokens, num_experts, capacity):
    i = pl.program_id(0)
    nb = pl.num_programs(0)
    s = jax.lax.rem(i, 2)
    tq = _TB // _NSPLIT

    @pl.when(i == 0)
    def _init():
        counts_ref[...] = jnp.zeros_like(counts_ref)
        gsum_ref[...] = jnp.zeros_like(gsum_ref)

    xb = x_ref[...]
    wgt = wg_ref[...]
    logits = jax.lax.dot_general(
        xb, wgt, (((1,), (1,)), ((), ())),
        preferred_element_type=jnp.float32)

    m = jnp.max(logits, axis=1, keepdims=True)
    eg = jnp.exp(logits - m)
    sg = jnp.sum(eg, axis=1, keepdims=True)
    gates = eg / sg

    gmax = jnp.max(gates, axis=1, keepdims=True)
    iota_e = jax.lax.broadcasted_iota(jnp.int32, (_TB, num_experts), 1)
    idx = jnp.min(jnp.where(gates == gmax, iota_e, num_experts),
                  axis=1, keepdims=True)
    mask1 = (iota_e == idx).astype(jnp.float32)

    r = jax.lax.broadcasted_iota(jnp.int32, (_TB, _TB), 0)
    c = jax.lax.broadcasted_iota(jnp.int32, (_TB, _TB), 1)
    tri = (r >= c).astype(jnp.float32)
    incl = jax.lax.dot_general(
        tri, mask1, (((1,), (0,)), ((), ())),
        preferred_element_type=jnp.float32)

    base = counts_ref[...]
    loc_tok = jnp.sum((incl + base) * mask1, axis=1, keepdims=True) - 1.0
    kept = loc_tok < capacity
    code = jnp.where(kept, idx * capacity + loc_tok.astype(jnp.int32),
                     -1)
    iota3 = (jax.lax.broadcasted_iota(jnp.int32, (_TB, num_experts, capacity), 1)
             * capacity
             + jax.lax.broadcasted_iota(jnp.int32, (_TB, num_experts, capacity), 2))
    cond = iota3 == code[:, :, None]
    comb = jnp.where(cond, gmax[:, :, None], 0.0)

    counts_ref[...] = base + jnp.sum(mask1, axis=0, keepdims=True)
    gsum_ref[...] = gsum_ref[...] + jnp.sum(gates, axis=0, keepdims=True)

    @pl.when(i >= 2)
    def _drain():
        prev = (i - 2) * _TB
        for k in range(_NSPLIT):
            pltpu.make_async_copy(
                comb_buf.at[pl.ds(s * _TB + k * tq, tq)],
                comb_hbm.at[pl.ds(prev + k * tq, tq)],
                sems.at[s, k]).wait()

    comb_buf[pl.ds(s * _TB, _TB)] = comb
    nw = (num_experts * capacity) // 32
    w_iota = jax.lax.broadcasted_iota(jnp.int32, (_TB, nw), 1)
    pack_ref[...] = jnp.where(w_iota == (code >> 5),
                              jnp.int32(1) << (code & 31), 0)

    cur = i * _TB
    for k in range(_NSPLIT):
        pltpu.make_async_copy(
            comb_buf.at[pl.ds(s * _TB + k * tq, tq)],
            comb_hbm.at[pl.ds(cur + k * tq, tq)],
            sems.at[s, k]).start()

    @pl.when(i == nb - 1)
    def _finish():
        o = 1 - s
        prev = (i - 1) * _TB
        for k in range(_NSPLIT):
            pltpu.make_async_copy(
                comb_buf.at[pl.ds(o * _TB + k * tq, tq)],
                comb_hbm.at[pl.ds(prev + k * tq, tq)],
                sems.at[o, k]).wait()
            pltpu.make_async_copy(
                comb_buf.at[pl.ds(s * _TB + k * tq, tq)],
                comb_hbm.at[pl.ds(cur + k * tq, tq)],
                sems.at[s, k]).wait()
        tot = jnp.sum(gsum_ref[...] * counts_ref[...])
        laux_ref[...] = jnp.full((1, 1), num_experts, jnp.float32) * tot \
            / (num_tokens * num_tokens)


def kernel(x, wg):
    num_tokens, model_dim = x.shape
    num_experts = wg.shape[0]
    capacity = int(math.ceil(num_tokens / num_experts))
    nb = num_tokens // _TB

    kfn = functools.partial(
        _top1_kernel, num_tokens=num_tokens, num_experts=num_experts,
        capacity=capacity)

    laux, comb, packed = pl.pallas_call(
        kfn,
        grid=(nb,),
        in_specs=[
            pl.BlockSpec((_TB, model_dim), lambda i: (i, 0)),
            pl.BlockSpec((num_experts, model_dim), lambda i: (0, 0)),
        ],
        out_specs=[
            pl.BlockSpec((1, 1), lambda i: (0, 0)),
            pl.BlockSpec(memory_space=pltpu.HBM),
            pl.BlockSpec((_TB, (num_experts * capacity) // 32), lambda i: (i, 0)),
        ],
        out_shape=[
            jax.ShapeDtypeStruct((1, 1), jnp.float32),
            jax.ShapeDtypeStruct((num_tokens, num_experts, capacity),
                                 jnp.float32),
            jax.ShapeDtypeStruct((num_tokens, (num_experts * capacity) // 32),
                                 jnp.int32),
        ],
        scratch_shapes=[
            pltpu.VMEM((1, num_experts), jnp.float32),
            pltpu.VMEM((1, num_experts), jnp.float32),
            pltpu.VMEM((2 * _TB, num_experts, capacity), jnp.float32),
            pltpu.SemaphoreType.DMA((2, _NSPLIT)),
        ],
    )(x, wg)
    bits = (packed[:, :, None] >> jnp.arange(32, dtype=jnp.int32)) & 1
    disp = bits.astype(jnp.bool_).reshape(num_tokens, num_experts, capacity)
    return laux.reshape(()), comb, disp

# --- scband reference (transcript-rebuilt; emitter-appended) ---
"""Pipeline reference for scband-top1-gate-22067541967284 (READ-ONLY COPY).

The authoritative reference and input builder live on the scoring server;
editing this copy changes nothing except your own understanding.
"""

import jax, jax.numpy as jnp
import numpy as np
import math

MODEL_DIM = 4096
NUM_EXPERTS = 64
NUM_TOKENS = 8192
CAPACITY_FACTOR = 1.0


def setup_inputs(seed: int = 0) -> dict:
    key = jax.random.key(seed)
    k1, k2 = jax.random.split(key)
    x = jax.random.normal(k1, (NUM_TOKENS, MODEL_DIM), dtype=jnp.float32)
    # wg: torch.nn.Linear(model_dim, num_experts, bias=False) -> weight [E, D]
    bound = 1.0 / math.sqrt(MODEL_DIM)
    wg = jax.random.uniform(k2, (NUM_EXPERTS, MODEL_DIM), dtype=jnp.float32, minval=-bound, maxval=bound)
    return {"x": x, "wg": wg}


def reference(x, wg):
    # gate_type='drop' path of top1gating (single-device, all2all_size==1)
    logits = x @ wg.T  # [T, E]
    gates = jax.nn.softmax(logits, axis=1)
    num_tokens, num_experts = gates.shape
    indices1_s = jnp.argmax(gates, axis=1)
    mask1 = jax.nn.one_hot(indices1_s, num_experts, dtype=gates.dtype)  # [T, E]
    # load-balancing aux loss
    me = jnp.mean(gates, axis=0)
    ce = jnp.mean(mask1, axis=0)
    l_aux = jnp.mean(me * ce) * num_experts * num_experts
    # capacity for 'drop' gate (train mode)
    capacity = int(CAPACITY_FACTOR * math.ceil(num_tokens / num_experts))
    gates1_s = jnp.sum(gates * mask1, axis=1)  # [T]
    # fused_cumsum_sub_one
    locations1 = jnp.cumsum(mask1, axis=0) - 1.0  # [T, E]
    # drop tokens over capacity
    mask1 = mask1 * (locations1 < capacity).astype(mask1.dtype)
    locations1_s = jnp.sum(locations1 * mask1, axis=1).astype(jnp.int32)  # [T]
    gates1 = gates1_s[:, None] * mask1  # [T, E]
    locations1_sc = jax.nn.one_hot(locations1_s, capacity, dtype=gates1.dtype)  # [T, C]
    # bmm(gates1.unsqueeze(-1), locations1_sc.unsqueeze(1)) -> [T, E, C]
    combine1_sec = gates1[:, :, None] * locations1_sc[:, None, :]
    dispatch_mask = combine1_sec.astype(bool)
    return (l_aux, combine1_sec, dispatch_mask)

if __name__ == "__main__":
    import jax
    _d = setup_inputs()
    print(jax.jit(kernel)(*tuple(_d.values())))

</pallas_src>

<mosaic_0001>
module attributes {stable_mosaic.version = 14 : i64} {
  func.func @_top1_kernel(%arg0: i32, %arg1: memref<256x4096xf32, #tpu.memory_space<vmem>>, %arg2: memref<64x4096xf32, #tpu.memory_space<vmem>>, %arg3: memref<1x1xf32, #tpu.memory_space<vmem>>, %arg4: memref<8192x64x128xf32, #tpu.memory_space<hbm>>, %arg5: memref<256x256xi32, #tpu.memory_space<vmem>>, %arg6: memref<1x64xf32, #tpu.memory_space<vmem>>, %arg7: memref<1x64xf32, #tpu.memory_space<vmem>>, %arg8: memref<512x64x128xf32, #tpu.memory_space<vmem>>, %arg9: memref<2x4x!tpu.dma_semaphore, #tpu.memory_space<semaphore_mem>>) attributes {dimension_semantics = [#tpu.dimension_semantics<arbitrary>], iteration_bounds = array<i64: 32>, scalar_prefetch = 0 : i64, scratch_operands = 4 : i64, tpu.core_type = #tpu.core_type<tc>, window_params = [{transform_indices = @transform_0, window_bounds = array<i64: 256, 4096>}, {pipeline_mode = #tpu.pipeline_mode<synchronous>, transform_indices = @transform_1, window_bounds = array<i64: 64, 4096>}, {pipeline_mode = #tpu.pipeline_mode<synchronous>, transform_indices = @transform_2, window_bounds = array<i64: 1, 1>}, {}, {transform_indices = @transform_4, window_bounds = array<i64: 256, 256>}]} {
    %rem3A = arith.constant 2 : i32
    %rem3A_0 = arith.remsi %arg0, %rem3A : i32
    %eq3A = arith.constant 0 : i32
    %eq3A_1 = arith.cmpi eq, %arg0, %eq3A : i32
    %convert_element_type3A = arith.extui %eq3A_1 : i1 to i32
    %cond3A = arith.constant 0 : i32
    %cond3A_2 = arith.cmpi ne, %convert_element_type3A, %cond3A : i32
    scf.if %cond3A_2 {
      %broadcast_in_dim3A_177 = arith.constant 0.000000e+00 : f32
      %broadcast_in_dim3A_178 = vector.broadcast %broadcast_in_dim3A_177 : f32 to vector<1x64xf32>
      %swap3A_179 = arith.constant 0 : index
      %swap3A_180 = arith.constant 0 : index
      %swap3A_181 = vector.load %arg6[%swap3A_179, %swap3A_180] : memref<1x64xf32, #tpu.memory_space<vmem>>, vector<1x64xf32>
      tpu.vector_store %arg6[%swap3A_179, %swap3A_180], %broadcast_in_dim3A_178 {strides = array<i32>} : memref<1x64xf32, #tpu.memory_space<vmem>>, vector<1x64xf32>,
      %broadcast_in_dim3A_182 = arith.constant 0.000000e+00 : f32
      %broadcast_in_dim3A_183 = vector.broadcast %broadcast_in_dim3A_182 : f32 to vector<1x64xf32>
      %swap3A_184 = arith.constant 0 : index
      %swap3A_185 = arith.constant 0 : index
      %swap3A_186 = vector.load %arg7[%swap3A_184, %swap3A_185] : memref<1x64xf32, #tpu.memory_space<vmem>>, vector<1x64xf32>
      tpu.vector_store %arg7[%swap3A_184, %swap3A_185], %broadcast_in_dim3A_183 {strides = array<i32>} : memref<1x64xf32, #tpu.memory_space<vmem>>, vector<1x64xf32>,
    } else {
    }
    %get3A = arith.constant 0 : index
    %get3A_3 = arith.constant 0 : index
    %get3A_4 = vector.load %arg1[%get3A, %get3A_3] : memref<256x4096xf32, #tpu.memory_space<vmem>>, vector<256x4096xf32>
    %get3A_5 = arith.constant 0 : index
    %get3A_6 = arith.constant 0 : index
    %get3A_7 = vector.load %arg2[%get3A_5, %get3A_6] : memref<64x4096xf32, #tpu.memory_space<vmem>>, vector<64x4096xf32>
    %dot_general3A = arith.constant dense<0.000000e+00> : vector<256x64xf32>
    %dot_general3A_8 = tpu.matmul %get3A_4, %get3A_7, %dot_general3A {dimension_numbers = #tpu.dot_dimension_numbers<[1], [1], [0], [0], [0, 0, 1, 0], [], []>, transpose_lhs_hint = false} : vector<256x4096xf32>, vector<64x4096xf32>, vector<256x64xf32> -> vector<256x64xf32>
    %reduce_max3A = arith.constant dense<0xFF800000> : vector<256xf32>
    %reduce_max3A_9 = vector.multi_reduction <maximumf>, %dot_general3A_8, %reduce_max3A [1] : vector<256x64xf32> to vector<256xf32>
    %broadcast_in_dim3A = vector.shape_cast %reduce_max3A_9 : vector<256xf32> to vector<256x1xf32>
    %sub3A = vector.broadcast %broadcast_in_dim3A : vector<256x1xf32> to vector<256x64xf32>
    %sub3A_10 = arith.subf %dot_general3A_8, %sub3A : vector<256x64xf32>
    %exp3A = math.exp %sub3A_10 : vector<256x64xf32>
    %reduce_sum3A = arith.constant dense<0.000000e+00> : vector<256xf32>
    %reduce_sum3A_11 = vector.multi_reduction <add>, %exp3A, %reduce_sum3A [1] : vector<256x64xf32> to vector<256xf32>
    %broadcast_in_dim3A_12 = vector.shape_cast %reduce_sum3A_11 : vector<256xf32> to vector<256x1xf32>
    %div3A = vector.broadcast %broadcast_in_dim3A_12 : vector<256x1xf32> to vector<256x64xf32>
    %div3A_13 = arith.divf %exp3A, %div3A : vector<256x64xf32>
    %reduce_max3A_14 = arith.constant dense<0xFF800000> : vector<256xf32>
    %reduce_max3A_15 = vector.multi_reduction <maximumf>, %div3A_13, %reduce_max3A_14 [1] : vector<256x64xf32> to vector<256xf32>
    %broadcast_in_dim3A_16 = vector.shape_cast %reduce_max3A_15 : vector<256xf32> to vector<256x1xf32>
    %iota3A = tpu.iota {dimensions = array<i32: 1>} : vector<256x64xi32>
    %eq3A_17 = vector.broadcast %broadcast_in_dim3A_16 : vector<256x1xf32> to vector<256x64xf32>
    %eq3A_18 = arith.cmpf oeq, %div3A_13, %eq3A_17 : vector<256x64xf32>
    %jit3A = arith.constant 64 : i32
    %broadcast_in_dim3A_19 = vector.broadcast %jit3A : i32 to vector<256x64xi32>
    %select_n3A = arith.select %eq3A_18, %iota3A, %broadcast_in_dim3A_19 : vector<256x64xi1>, vector<256x64xi32>
    %reduce_min3A = arith.constant dense<2147483647> : vector<256xi32>
    %reduce_min3A_20 = vector.multi_reduction <minsi>, %select_n3A, %reduce_min3A [1] : vector<256x64xi32> to vector<256xi32>
    %broadcast_in_dim3A_21 = vector.shape_cast %reduce_min3A_20 : vector<256xi32> to vector<256x1xi32>
    %eq3A_22 = vector.broadcast %broadcast_in_dim3A_21 : vector<256x1xi32> to vector<256x64xi32>
    %eq3A_23 = arith.cmpi eq, %iota3A, %eq3A_22 : vector<256x64xi32>
    %convert_element_type3A_24 = arith.extui %eq3A_23 : vector<256x64xi1> to vector<256x64xi32>
    %convert_element_type3A_25 = arith.sitofp %convert_element_type3A_24 : vector<256x64xi32> to vector<256x64xf32>
    %iota3A_26 = tpu.iota {dimensions = array<i32: 0>} : vector<256x256xi32>
    %iota3A_27 = tpu.iota {dimensions = array<i32: 1>} : vector<256x256xi32>
    %ge3A = arith.cmpi sge, %iota3A_26, %iota3A_27 : vector<256x256xi32>
    %convert_element_type3A_28 = arith.extui %ge3A : vector<256x256xi1> to vector<256x256xi32>
    %convert_element_type3A_29 = arith.sitofp %convert_element_type3A_28 : vector<256x256xi32> to vector<256x256xf32>
    %dot_general3A_30 = arith.constant dense<0.000000e+00> : vector<256x64xf32>
    %dot_general3A_31 = tpu.matmul %convert_element_type3A_29, %convert_element_type3A_25, %dot_general3A_30 {dimension_numbers = #tpu.dot_dimension_numbers<[1], [0], [0], [1], [0, 0, 1, 1], [], []>, transpose_lhs_hint = false} : vector<256x256xf32>, vector<256x64xf32>, vector<256x64xf32> -> vector<256x64xf32>
    %get3A_32 = arith.constant 0 : index
    %get3A_33 = arith.constant 0 : index
    %get3A_34 = vector.load %arg6[%get3A_32, %get3A_33] : memref<1x64xf32, #tpu.memory_space<vmem>>, vector<1x64xf32>
    %add3A = vector.broadcast %get3A_34 : vector<1x64xf32> to vector<256x64xf32>
    %add3A_35 = arith.addf %dot_general3A_31, %add3A : vector<256x64xf32>
    %mul3A = arith.mulf %add3A_35, %convert_element_type3A_25 : vector<256x64xf32>
    %reduce_sum3A_36 = arith.constant dense<0.000000e+00> : vector<256xf32>
    %reduce_sum3A_37 = vector.multi_reduction <add>, %mul3A, %reduce_sum3A_36 [1] : vector<256x64xf32> to vector<256xf32>
    %broadcast_in_dim3A_38 = vector.shape_cast %reduce_sum3A_37 : vector<256xf32> to vector<256x1xf32>
    %sub3A_39 = arith.constant 1.000000e+00 : f32
    %sub3A_40 = vector.broadcast %sub3A_39 : f32 to vector<256x1xf32>
    %sub3A_41 = arith.subf %broadcast_in_dim3A_38, %sub3A_40 : vector<256x1xf32>
    %lt3A = arith.constant 1.280000e+02 : f32
    %lt3A_42 = vector.broadcast %lt3A : f32 to vector<256x1xf32>
    %lt3A_43 = arith.cmpf olt, %sub3A_41, %lt3A_42 : vector<256x1xf32>
    %mul3A_44 = arith.constant 128 : i32
    %mul3A_45 = vector.broadcast %mul3A_44 : i32 to vector<256x1xi32>
    %mul3A_46 = arith.muli %broadcast_in_dim3A_21, %mul3A_45 : vector<256x1xi32>
    %convert_element_type3A_47 = arith.fptosi %sub3A_41 : vector<256x1xf32> to vector<256x1xi32>
    %add3A_48 = arith.addi %mul3A_46, %convert_element_type3A_47 : vector<256x1xi32>
    %jit3A_49 = arith.constant -1 : i32
    %broadcast_in_dim3A_50 = vector.broadcast %jit3A_49 : i32 to vector<256x1xi32>
    %select_n3A_51 = arith.select %lt3A_43, %add3A_48, %broadcast_in_dim3A_50 : vector<256x1xi1>, vector<256x1xi32>
    %iota3A_52 = tpu.iota {dimensions = array<i32: 1>} : vector<256x64x128xi32>
    %mul3A_53 = arith.constant 128 : i32
    %mul3A_54 = vector.broadcast %mul3A_53 : i32 to vector<256x64x128xi32>
    %mul3A_55 = arith.muli %iota3A_52, %mul3A_54 : vector<256x64x128xi32>
    %iota3A_56 = tpu.iota {dimensions = array<i32: 2>} : vector<256x64x128xi32>
    %add3A_57 = arith.addi %mul3A_55, %iota3A_56 : vector<256x64x128xi32>
    %broadcast_in_dim3A_58 = vector.shape_cast %select_n3A_51 : vector<256x1xi32> to vector<256x1x1xi32>
    %eq3A_59 = vector.broadcast %broadcast_in_dim3A_58 : vector<256x1x1xi32> to vector<256x64x128xi32>
    %eq3A_60 = arith.cmpi eq, %add3A_57, %eq3A_59 : vector<256x64x128xi32>
    %broadcast_in_dim3A_61 = vector.shape_cast %broadcast_in_dim3A_16 : vector<256x1xf32> to vector<256x1x1xf32>
    %jit3A_62 = arith.constant 0.000000e+00 : f32
    %broadcast_in_dim3A_63 = vector.shape_cast %broadcast_in_dim3A_61 : vector<256x1x1xf32> to vector<256x1x1xf32>
    %broadcast_in_dim3A_64 = vector.broadcast %broadcast_in_dim3A_63 : vector<256x1x1xf32> to vector<256x64x128xf32>
    %broadcast_in_dim3A_65 = vector.broadcast %jit3A_62 : f32 to vector<256x64x128xf32>
    %select_n3A_66 = arith.select %eq3A_60, %broadcast_in_dim3A_64, %broadcast_in_dim3A_65 : vector<256x64x128xi1>, vector<256x64x128xf32>
    %reduce_sum3A_67 = arith.constant dense<0.000000e+00> : vector<64xf32>
    %reduce_sum3A_68 = vector.multi_reduction <add>, %convert_element_type3A_25, %reduce_sum3A_67 [0] : vector<256x64xf32> to vector<64xf32>
    %broadcast_in_dim3A_69 = vector.shape_cast %reduce_sum3A_68 : vector<64xf32> to vector<1x64xf32>
    %add3A_70 = arith.addf %get3A_34, %broadcast_in_dim3A_69 : vector<1x64xf32>
    %swap3A = arith.constant 0 : index
    %swap3A_71 = arith.constant 0 : index
    %swap3A_72 = vector.load %arg6[%swap3A, %swap3A_71] : memref<1x64xf32, #tpu.memory_space<vmem>>, vector<1x64xf32>
    tpu.vector_store %arg6[%swap3A, %swap3A_71], %add3A_70 {strides = array<i32>} : memref<1x64xf32, #tpu.memory_space<vmem>>, vector<1x64xf32>,
    %get3A_73 = arith.constant 0 : index
    %get3A_74 = arith.constant 0 : index
    %get3A_75 = vector.load %arg7[%get3A_73, %get3A_74] : memref<1x64xf32, #tpu.memory_space<vmem>>, vector<1x64xf32>
    %reduce_sum3A_76 = arith.constant dense<0.000000e+00> : vector<64xf32>
    %reduce_sum3A_77 = vector.multi_reduction <add>, %div3A_13, %reduce_sum3A_76 [0] : vector<256x64xf32> to vector<64xf32>
    %broadcast_in_dim3A_78 = vector.shape_cast %reduce_sum3A_77 : vector<64xf32> to vector<1x64xf32>
    %add3A_79 = arith.addf %get3A_75, %broadcast_in_dim3A_78 : vector<1x64xf32>
    %swap3A_80 = arith.constant 0 : index
    %swap3A_81 = arith.constant 0 : index
    %swap3A_82 = vector.load %arg7[%swap3A_80, %swap3A_81] : memref<1x64xf32, #tpu.memory_space<vmem>>, vector<1x64xf32>
    tpu.vector_store %arg7[%swap3A_80, %swap3A_81], %add3A_79 {strides = array<i32>} : memref<1x64xf32, #tpu.memory_space<vmem>>, vector<1x64xf32>,
    %ge3A_83 = arith.constant 2 : i32
    %ge3A_84 = arith.cmpi sge, %arg0, %ge3A_83 : i32
    %convert_element_type3A_85 = arith.extui %ge3A_84 : i1 to i32
    %cond3A_86 = arith.constant 0 : i32
    %cond3A_87 = arith.cmpi ne, %convert_element_type3A_85, %cond3A_86 : i32
    scf.if %cond3A_87 {
      %sub3A_177 = arith.constant 2 : i32
      %sub3A_178 = arith.subi %arg0, %sub3A_177 : i32
      %mul3A_179 = arith.constant 256 : i32
      %mul3A_180 = arith.muli %sub3A_178, %mul3A_179 : i32
      %mul3A_181 = arith.constant 256 : i32
      %mul3A_182 = arith.muli %rem3A_0, %mul3A_181 : i32
      %add3A_183 = arith.constant 0 : i32
      %add3A_184 = arith.addi %mul3A_182, %add3A_183 : i32
      %add3A_185 = arith.constant 0 : i32
      %add3A_186 = arith.addi %mul3A_180, %add3A_185 : i32
      %dma_wait3A = arith.constant 0 : i32
      %dma_wait3A_187 = tpu.memref_slice %arg9[%rem3A_0, %dma_wait3A] : memref<2x4x!tpu.dma_semaphore, #tpu.memory_space<semaphore_mem>> -> memref<1x1x!tpu.dma_semaphore, #tpu.memory_space<semaphore_mem>>
      %dma_wait3A_188 = tpu.memref_squeeze %dma_wait3A_187 : memref<1x1x!tpu.dma_semaphore, #tpu.memory_space<semaphore_mem>> -> memref<!tpu.dma_semaphore, #tpu.memory_space<semaphore_mem>>
      %dma_wait3A_189 = arith.constant 0 : i32
      %dma_wait3A_190 = arith.constant 0 : i32
      %dma_wait3A_191 = tpu.memref_slice %arg4[%add3A_186, %dma_wait3A_189, %dma_wait3A_190] : memref<8192x64x128xf32, #tpu.memory_space<hbm>> -> memref<64x64x128xf32, #tpu.memory_space<hbm>>
      %dma_wait3A_192 = arith.constant 0 : i32
      %dma_wait3A_193 = arith.constant 0 : i32
      %dma_wait3A_194 = tpu.memref_slice %arg8[%add3A_184, %dma_wait3A_192, %dma_wait3A_193] : memref<512x64x128xf32, #tpu.memory_space<vmem>> -> memref<64x64x128xf32, #tpu.memory_space<vmem>>
      tpu.wait_dma2 semaphore(%dma_wait3A_188 : memref<!tpu.dma_semaphore, #tpu.memory_space<semaphore_mem>>) src(%dma_wait3A_194 : memref<64x64x128xf32, #tpu.memory_space<vmem>>) dst(%dma_wait3A_191 : memref<64x64x128xf32, #tpu.memory_space<hbm>>)
      %mul3A_195 = arith.constant 256 : i32
      %mul3A_196 = arith.muli %rem3A_0, %mul3A_195 : i32
      %add3A_197 = arith.constant 64 : i32
      %add3A_198 = arith.addi %mul3A_196, %add3A_197 : i32
      %add3A_199 = arith.constant 64 : i32
      %add3A_200 = arith.addi %mul3A_180, %add3A_199 : i32
      %dma_wait3A_201 = arith.constant 1 : i32
      %dma_wait3A_202 = tpu.memref_slice %arg9[%rem3A_0, %dma_wait3A_201] : memref<2x4x!tpu.dma_semaphore, #tpu.memory_space<semaphore_mem>> -> memref<1x1x!tpu.dma_semaphore, #tpu.memory_space<semaphore_mem>>
      %dma_wait3A_203 = tpu.memref_squeeze %dma_wait3A_202 : memref<1x1x!tpu.dma_semaphore, #tpu.memory_space<semaphore_mem>> -> memref<!tpu.dma_semaphore, #tpu.memory_space<semaphore_mem>>
      %dma_wait3A_204 = arith.constant 0 : i32
      %dma_wait3A_205 = arith.constant 0 : i32
      %dma_wait3A_206 = tpu.memref_slice %arg4[%add3A_200, %dma_wait3A_204, %dma_wait3A_205] : memref<8192x64x128xf32, #tpu.memory_space<hbm>> -> memref<64x64x128xf32, #tpu.memory_space<hbm>>
      %dma_wait3A_207 = arith.constant 0 : i32
      %dma_wait3A_208 = arith.constant 0 : i32
      %dma_wait3A_209 = tpu.memref_slice %arg8[%add3A_198, %dma_wait3A_207, %dma_wait3A_208] : memref<512x64x128xf32, #tpu.memory_space<vmem>> -> memref<64x64x128xf32, #tpu.memory_space<vmem>>
      tpu.wait_dma2 semaphore(%dma_wait3A_203 : memref<!tpu.dma_semaphore, #tpu.memory_space<semaphore_mem>>) src(%dma_wait3A_209 : memref<64x64x128xf32, #tpu.memory_space<vmem>>) dst(%dma_wait3A_206 : memref<64x64x128xf32, #tpu.memory_space<hbm>>)
      %mul3A_210 = arith.constant 256 : i32
      %mul3A_211 = arith.muli %rem3A_0, %mul3A_210 : i32
      %add3A_212 = arith.constant 128 : i32
      %add3A_213 = arith.addi %mul3A_211, %add3A_212 : i32
      %add3A_214 = arith.constant 128 : i32
      %add3A_215 = arith.addi %mul3A_180, %add3A_214 : i32
      %dma_wait3A_216 = arith.constant 2 : i32
      %dma_wait3A_217 = tpu.memref_slice %arg9[%rem3A_0, %dma_wait3A_216] : memref<2x4x!tpu.dma_semaphore, #tpu.memory_space<semaphore_mem>> -> memref<1x1x!tpu.dma_semaphore, #tpu.memory_space<semaphore_mem>>
      %dma_wait3A_218 = tpu.memref_squeeze %dma_wait3A_217 : memref<1x1x!tpu.dma_semaphore, #tpu.memory_space<semaphore_mem>> -> memref<!tpu.dma_semaphore, #tpu.memory_space<semaphore_mem>>
      %dma_wait3A_219 = arith.constant 0 : i32
      %dma_wait3A_220 = arith.constant 0 : i32
      %dma_wait3A_221 = tpu.memref_slice %arg4[%add3A_215, %dma_wait3A_219, %dma_wait3A_220] : memref<8192x64x128xf32, #tpu.memory_space<hbm>> -> memref<64x64x128xf32, #tpu.memory_space<hbm>>
      %dma_wait3A_222 = arith.constant 0 : i32
      %dma_wait3A_223 = arith.constant 0 : i32
      %dma_wait3A_224 = tpu.memref_slice %arg8[%add3A_213, %dma_wait3A_222, %dma_wait3A_223] : memref<512x64x128xf32, #tpu.memory_space<vmem>> -> memref<64x64x128xf32, #tpu.memory_space<vmem>>
      tpu.wait_dma2 semaphore(%dma_wait3A_218 : memref<!tpu.dma_semaphore, #tpu.memory_space<semaphore_mem>>) src(%dma_wait3A_224 : memref<64x64x128xf32, #tpu.memory_space<vmem>>) dst(%dma_wait3A_221 : memref<64x64x128xf32, #tpu.memory_space<hbm>>)
      %mul3A_225 = arith.constant 256 : i32
      %mul3A_226 = arith.muli %rem3A_0, %mul3A_225 : i32
      %add3A_227 = arith.constant 192 : i32
      %add3A_228 = arith.addi %mul3A_226, %add3A_227 : i32
      %add3A_229 = arith.constant 192 : i32
      %add3A_230 = arith.addi %mul3A_180, %add3A_229 : i32
      %dma_wait3A_231 = arith.constant 3 : i32
      %dma_wait3A_232 = tpu.memref_slice %arg9[%rem3A_0, %dma_wait3A_231] : memref<2x4x!tpu.dma_semaphore, #tpu.memory_space<semaphore_mem>> -> memref<1x1x!tpu.dma_semaphore, #tpu.memory_space<semaphore_mem>>
      %dma_wait3A_233 = tpu.memref_squeeze %dma_wait3A_232 : memref<1x1x!tpu.dma_semaphore, #tpu.memory_space<semaphore_mem>> -> memref<!tpu.dma_semaphore, #tpu.memory_space<semaphore_mem>>
      %dma_wait3A_234 = arith.constant 0 : i32
      %dma_wait3A_235 = arith.constant 0 : i32
      %dma_wait3A_236 = tpu.memref_slice %arg4[%add3A_230, %dma_wait3A_234, %dma_wait3A_235] : memref<8192x64x128xf32, #tpu.memory_space<hbm>> -> memref<64x64x128xf32, #tpu.memory_space<hbm>>
      %dma_wait3A_237 = arith.constant 0 : i32
      %dma_wait3A_238 = arith.constant 0 : i32
      %dma_wait3A_239 = tpu.memref_slice %arg8[%add3A_228, %dma_wait3A_237, %dma_wait3A_238] : memref<512x64x128xf32, #tpu.memory_space<vmem>> -> memref<64x64x128xf32, #tpu.memory_space<vmem>>
      tpu.wait_dma2 semaphore(%dma_wait3A_233 : memref<!tpu.dma_semaphore, #tpu.memory_space<semaphore_mem>>) src(%dma_wait3A_239 : memref<64x64x128xf32, #tpu.memory_space<vmem>>) dst(%dma_wait3A_236 : memref<64x64x128xf32, #tpu.memory_space<hbm>>)
    } else {
    }
    %mul3A_88 = arith.constant 256 : i32
    %mul3A_89 = arith.muli %rem3A_0, %mul3A_88 : i32
    %swap3A_90 = arith.index_cast %mul3A_89 : i32 to index
    %swap3A_91 = arith.constant 0 : index
    %swap3A_92 = arith.constant 0 : index
    %swap3A_93 = vector.load %arg8[%swap3A_90, %swap3A_91, %swap3A_92] : memref<512x64x128xf32, #tpu.memory_space<vmem>>, vector<256x64x128xf32>
    tpu.vector_store %arg8[%swap3A_90, %swap3A_91, %swap3A_92], %select_n3A_66 {strides = array<i32>} : memref<512x64x128xf32, #tpu.memory_space<vmem>>, vector<256x64x128xf32>,
    %iota3A_94 = tpu.iota {dimensions = array<i32: 1>} : vector<256x256xi32>
    %shift_right_arithmetic3A = arith.constant 5 : i32
    %shift_right_arithmetic3A_95 = vector.broadcast %shift_right_arithmetic3A : i32 to vector<256x1xi32>
    %shift_right_arithmetic3A_96 = arith.shrsi %select_n3A_51, %shift_right_arithmetic3A_95 : vector<256x1xi32>
    %eq3A_97 = vector.broadcast %shift_right_arithmetic3A_96 : vector<256x1xi32> to vector<256x256xi32>
    %eq3A_98 = arith.cmpi eq, %iota3A_94, %eq3A_97 : vector<256x256xi32>
    %and3A = arith.constant 31 : i32
    %and3A_99 = vector.broadcast %and3A : i32 to vector<256x1xi32>
    %and3A_100 = arith.andi %select_n3A_51, %and3A_99 : vector<256x1xi32>
    %shift_left3A = arith.constant 1 : i32
    %shift_left3A_101 = vector.broadcast %shift_left3A : i32 to vector<256x1xi32>
    %shift_left3A_102 = arith.shli %shift_left3A_101, %and3A_100 : vector<256x1xi32>
    %jit3A_103 = arith.constant 0 : i32
    %broadcast_in_dim3A_104 = vector.shape_cast %shift_left3A_102 : vector<256x1xi32> to vector<256x1xi32>
    %broadcast_in_dim3A_105 = vector.broadcast %broadcast_in_dim3A_104 : vector<256x1xi32> to vector<256x256xi32>
    %broadcast_in_dim3A_106 = vector.broadcast %jit3A_103 : i32 to vector<256x256xi32>
    %select_n3A_107 = arith.select %eq3A_98, %broadcast_in_dim3A_105, %broadcast_in_dim3A_106 : vector<256x256xi1>, vector<256x256xi32>
    %swap3A_108 = arith.constant 0 : index
    %swap3A_109 = arith.constant 0 : index
    %swap3A_110 = vector.load %arg5[%swap3A_108, %swap3A_109] : memref<256x256xi32, #tpu.memory_space<vmem>>, vector<256x256xi32>
    tpu.vector_store %arg5[%swap3A_108, %swap3A_109], %select_n3A_107 {strides = array<i32>} : memref<256x256xi32, #tpu.memory_space<vmem>>, vector<256x256xi32>,
    %mul3A_111 = arith.constant 256 : i32
    %mul3A_112 = arith.muli %arg0, %mul3A_111 : i32
    %mul3A_113 = arith.constant 256 : i32
    %mul3A_114 = arith.muli %rem3A_0, %mul3A_113 : i32
    %add3A_115 = arith.constant 0 : i32
    %add3A_116 = arith.addi %mul3A_114, %add3A_115 : i32
    %add3A_117 = arith.constant 0 : i32
    %add3A_118 = arith.addi %mul3A_112, %add3A_117 : i32
    %dma_start3A = arith.constant 0 : i32
    %dma_start3A_119 = tpu.memref_slice %arg9[%rem3A_0, %dma_start3A] : memref<2x4x!tpu.dma_semaphore, #tpu.memory_space<semaphore_mem>> -> memref<1x1x!tpu.dma_semaphore, #tpu.memory_space<semaphore_mem>>
    %dma_start3A_120 = tpu.memref_squeeze %dma_start3A_119 : memref<1x1x!tpu.dma_semaphore, #tpu.memory_space<semaphore_mem>> -> memref<!tpu.dma_semaphore, #tpu.memory_space<semaphore_mem>>
    %dma_start3A_121 = arith.constant 0 : i32
    %dma_start3A_122 = arith.constant 0 : i32
    %dma_start3A_123 = tpu.memref_slice %arg4[%add3A_118, %dma_start3A_121, %dma_start3A_122] : memref<8192x64x128xf32, #tpu.memory_space<hbm>> -> memref<64x64x128xf32, #tpu.memory_space<hbm>>
    %dma_start3A_124 = arith.constant 0 : i32
    %dma_start3A_125 = arith.constant 0 : i32
    %dma_start3A_126 = tpu.memref_slice %arg8[%add3A_116, %dma_start3A_124, %dma_start3A_125] : memref<512x64x128xf32, #tpu.memory_space<vmem>> -> memref<64x64x128xf32, #tpu.memory_space<vmem>>
    tpu.enqueue_dma source(%dma_start3A_126 : memref<64x64x128xf32, #tpu.memory_space<vmem>>) target(%dma_start3A_123 : memref<64x64x128xf32, #tpu.memory_space<hbm>>) target_semaphore(%dma_start3A_120 : memref<!tpu.dma_semaphore, #tpu.memory_space<semaphore_mem>>)
    %mul3A_127 = arith.constant 256 : i32
    %mul3A_128 = arith.muli %rem3A_0, %mul3A_127 : i32
    %add3A_129 = arith.constant 64 : i32
    %add3A_130 = arith.addi %mul3A_128, %add3A_129 : i32
    %add3A_131 = arith.constant 64 : i32
    %add3A_132 = arith.addi %mul3A_112, %add3A_131 : i32
    %dma_start3A_133 = arith.constant 1 : i32
    %dma_start3A_134 = tpu.memref_slice %arg9[%rem3A_0, %dma_start3A_133] : memref<2x4x!tpu.dma_semaphore, #tpu.memory_space<semaphore_mem>> -> memref<1x1x!tpu.dma_semaphore, #tpu.memory_space<semaphore_mem>>
    %dma_start3A_135 = tpu.memref_squeeze %dma_start3A_134 : memref<1x1x!tpu.dma_semaphore, #tpu.memory_space<semaphore_mem>> -> memref<!tpu.dma_semaphore, #tpu.memory_space<semaphore_mem>>
    %dma_start3A_136 = arith.constant 0 : i32
    %dma_start3A_137 = arith.constant 0 : i32
    %dma_start3A_138 = tpu.memref_slice %arg4[%add3A_132, %dma_start3A_136, %dma_start3A_137] : memref<8192x64x128xf32, #tpu.memory_space<hbm>> -> memref<64x64x128xf32, #tpu.memory_space<hbm>>
    %dma_start3A_139 = arith.constant 0 : i32
    %dma_start3A_140 = arith.constant 0 : i32
    %dma_start3A_141 = tpu.memref_slice %arg8[%add3A_130, %dma_start3A_139, %dma_start3A_140] : memref<512x64x128xf32, #tpu.memory_space<vmem>> -> memref<64x64x128xf32, #tpu.memory_space<vmem>>
    tpu.enqueue_dma source(%dma_start3A_141 : memref<64x64x128xf32, #tpu.memory_space<vmem>>) target(%dma_start3A_138 : memref<64x64x128xf32, #tpu.memory_space<hbm>>) target_semaphore(%dma_start3A_135 : memref<!tpu.dma_semaphore, #tpu.memory_space<semaphore_mem>>)
    %mul3A_142 = arith.constant 256 : i32
    %mul3A_143 = arith.muli %rem3A_0, %mul3A_142 : i32
    %add3A_144 = arith.constant 128 : i32
    %add3A_145 = arith.addi %mul3A_143, %add3A_144 : i32
    %add3A_146 = arith.constant 128 : i32
    %add3A_147 = arith.addi %mul3A_112, %add3A_146 : i32
    %dma_start3A_148 = arith.constant 2 : i32
    %dma_start3A_149 = tpu.memref_slice %arg9[%rem3A_0, %dma_start3A_148] : memref<2x4x!tpu.dma_semaphore, #tpu.memory_space<semaphore_mem>> -> memref<1x1x!tpu.dma_semaphore, #tpu.memory_space<semaphore_mem>>
    %dma_start3A_150 = tpu.memref_squeeze %dma_start3A_149 : memref<1x1x!tpu.dma_semaphore, #tpu.memory_space<semaphore_mem>> -> memref<!tpu.dma_semaphore, #tpu.memory_space<semaphore_mem>>
    %dma_start3A_151 = arith.constant 0 : i32
    %dma_start3A_152 = arith.constant 0 : i32
    %dma_start3A_153 = tpu.memref_slice %arg4[%add3A_147, %dma_start3A_151, %dma_start3A_152] : memref<8192x64x128xf32, #tpu.memory_space<hbm>> -> memref<64x64x128xf32, #tpu.memory_space<hbm>>
    %dma_start3A_154 = arith.constant 0 : i32
    %dma_start3A_155 = arith.constant 0 : i32
    %dma_start3A_156 = tpu.memref_slice %arg8[%add3A_145, %dma_start3A_154, %dma_start3A_155] : memref<512x64x128xf32, #tpu.memory_space<vmem>> -> memref<64x64x128xf32, #tpu.memory_space<vmem>>
    tpu.enqueue_dma source(%dma_start3A_156 : memref<64x64x128xf32, #tpu.memory_space<vmem>>) target(%dma_start3A_153 : memref<64x64x128xf32, #tpu.memory_space<hbm>>) target_semaphore(%dma_start3A_150 : memref<!tpu.dma_semaphore, #tpu.memory_space<semaphore_mem>>)
    %mul3A_157 = arith.constant 256 : i32
    %mul3A_158 = arith.muli %rem3A_0, %mul3A_157 : i32
    %add3A_159 = arith.constant 192 : i32
    %add3A_160 = arith.addi %mul3A_158, %add3A_159 : i32
    %add3A_161 = arith.constant 192 : i32
    %add3A_162 = arith.addi %mul3A_112, %add3A_161 : i32
    %dma_start3A_163 = arith.constant 3 : i32
    %dma_start3A_164 = tpu.memref_slice %arg9[%rem3A_0, %dma_start3A_163] : memref<2x4x!tpu.dma_semaphore, #tpu.memory_space<semaphore_mem>> -> memref<1x1x!tpu.dma_semaphore, #tpu.memory_space<semaphore_mem>>
    %dma_start3A_165 = tpu.memref_squeeze %dma_start3A_164 : memref<1x1x!tpu.dma_semaphore, #tpu.memory_space<semaphore_mem>> -> memref<!tpu.dma_semaphore, #tpu.memory_space<semaphore_mem>>
    %dma_start3A_166 = arith.constant 0 : i32
    %dma_start3A_167 = arith.constant 0 : i32
    %dma_start3A_168 = tpu.memref_slice %arg4[%add3A_162, %dma_start3A_166, %dma_start3A_167] : memref<8192x64x128xf32, #tpu.memory_space<hbm>> -> memref<64x64x128xf32, #tpu.memory_space<hbm>>
    %dma_start3A_169 = arith.constant 0 : i32
    %dma_start3A_170 = arith.constant 0 : i32
    %dma_start3A_171 = tpu.memref_slice %arg8[%add3A_160, %dma_start3A_169, %dma_start3A_170] : memref<512x64x128xf32, #tpu.memory_space<vmem>> -> memref<64x64x128xf32, #tpu.memory_space<vmem>>
    tpu.enqueue_dma source(%dma_start3A_171 : memref<64x64x128xf32, #tpu.memory_space<vmem>>) target(%dma_start3A_168 : memref<64x64x128xf32, #tpu.memory_space<hbm>>) target_semaphore(%dma_start3A_165 : memref<!tpu.dma_semaphore, #tpu.memory_space<semaphore_mem>>)
    %eq3A_172 = arith.constant 31 : i32
    %eq3A_173 = arith.cmpi eq, %arg0, %eq3A_172 : i32
    %convert_element_type3A_174 = arith.extui %eq3A_173 : i1 to i32
    %cond3A_175 = arith.constant 0 : i32
    %cond3A_176 = arith.cmpi ne, %convert_element_type3A_174, %cond3A_175 : i32
    scf.if %cond3A_176 {
      %sub3A_177 = arith.constant 1 : i32
      %sub3A_178 = arith.subi %sub3A_177, %rem3A_0 : i32
      %sub3A_179 = arith.constant 1 : i32
      %sub3A_180 = arith.subi %arg0, %sub3A_179 : i32
      %mul3A_181 = arith.constant 256 : i32
      %mul3A_182 = arith.muli %sub3A_180, %mul3A_181 : i32
      %mul3A_183 = arith.constant 256 : i32
      %mul3A_184 = arith.muli %sub3A_178, %mul3A_183 : i32
      %add3A_185 = arith.constant 0 : i32
      %add3A_186 = arith.addi %mul3A_184, %add3A_185 : i32
      %add3A_187 = arith.constant 0 : i32
      %add3A_188 = arith.addi %mul3A_182, %add3A_187 : i32
      %dma_wait3A = arith.constant 0 : i32
      %dma_wait3A_189 = tpu.memref_slice %arg9[%sub3A_178, %dma_wait3A] : memref<2x4x!tpu.dma_semaphore, #tpu.memory_space<semaphore_mem>> -> memref<1x1x!tpu.dma_semaphore, #tpu.memory_space<semaphore_mem>>
      %dma_wait3A_190 = tpu.memref_squeeze %dma_wait3A_189 : memref<1x1x!tpu.dma_semaphore, #tpu.memory_space<semaphore_mem>> -> memref<!tpu.dma_semaphore, #tpu.memory_space<semaphore_mem>>
      %dma_wait3A_191 = arith.constant 0 : i32
      %dma_wait3A_192 = arith.constant 0 : i32
      %dma_wait3A_193 = tpu.memref_slice %arg4[%add3A_188, %dma_wait3A_191, %dma_wait3A_192] : memref<8192x64x128xf32, #tpu.memory_space<hbm>> -> memref<64x64x128xf32, #tpu.memory_space<hbm>>
      %dma_wait3A_194 = arith.constant 0 : i32
      %dma_wait3A_195 = arith.constant 0 : i32
      %dma_wait3A_196 = tpu.memref_slice %arg8[%add3A_186, %dma_wait3A_194, %dma_wait3A_195] : memref<512x64x128xf32, #tpu.memory_space<vmem>> -> memref<64x64x128xf32, #tpu.memory_space<vmem>>
      tpu.wait_dma2 semaphore(%dma_wait3A_190 : memref<!tpu.dma_semaphore, #tpu.memory_space<semaphore_mem>>) src(%dma_wait3A_196 : memref<64x64x128xf32, #tpu.memory_space<vmem>>) dst(%dma_wait3A_193 : memref<64x64x128xf32, #tpu.memory_space<hbm>>)
      %mul3A_197 = arith.constant 256 : i32
      %mul3A_198 = arith.muli %rem3A_0, %mul3A_197 : i32
      %add3A_199 = arith.constant 0 : i32
      %add3A_200 = arith.addi %mul3A_198, %add3A_199 : i32
      %add3A_201 = arith.constant 0 : i32
      %add3A_202 = arith.addi %mul3A_112, %add3A_201 : i32
      %dma_wait3A_203 = arith.constant 0 : i32
      %dma_wait3A_204 = tpu.memref_slice %arg9[%rem3A_0, %dma_wait3A_203] : memref<2x4x!tpu.dma_semaphore, #tpu.memory_space<semaphore_mem>> -> memref<1x1x!tpu.dma_semaphore, #tpu.memory_space<semaphore_mem>>
      %dma_wait3A_205 = tpu.memref_squeeze %dma_wait3A_204 : memref<1x1x!tpu.dma_semaphore, #tpu.memory_space<semaphore_mem>> -> memref<!tpu.dma_semaphore, #tpu.memory_space<semaphore_mem>>
      %dma_wait3A_206 = arith.constant 0 : i32
      %dma_wait3A_207 = arith.constant 0 : i32
      %dma_wait3A_208 = tpu.memref_slice %arg4[%add3A_202, %dma_wait3A_206, %dma_wait3A_207] : memref<8192x64x128xf32, #tpu.memory_space<hbm>> -> memref<64x64x128xf32, #tpu.memory_space<hbm>>
      %dma_wait3A_209 = arith.constant 0 : i32
      %dma_wait3A_210 = arith.constant 0 : i32
      %dma_wait3A_211 = tpu.memref_slice %arg8[%add3A_200, %dma_wait3A_209, %dma_wait3A_210] : memref<512x64x128xf32, #tpu.memory_space<vmem>> -> memref<64x64x128xf32, #tpu.memory_space<vmem>>
      tpu.wait_dma2 semaphore(%dma_wait3A_205 : memref<!tpu.dma_semaphore, #tpu.memory_space<semaphore_mem>>) src(%dma_wait3A_211 : memref<64x64x128xf32, #tpu.memory_space<vmem>>) dst(%dma_wait3A_208 : memref<64x64x128xf32, #tpu.memory_space<hbm>>)
      %mul3A_212 = arith.constant 256 : i32
      %mul3A_213 = arith.muli %sub3A_178, %mul3A_212 : i32
      %add3A_214 = arith.constant 64 : i32
      %add3A_215 = arith.addi %mul3A_213, %add3A_214 : i32
      %add3A_216 = arith.constant 64 : i32
      %add3A_217 = arith.addi %mul3A_182, %add3A_216 : i32
      %dma_wait3A_218 = arith.constant 1 : i32
      %dma_wait3A_219 = tpu.memref_slice %arg9[%sub3A_178, %dma_wait3A_218] : memref<2x4x!tpu.dma_semaphore, #tpu.memory_space<semaphore_mem>> -> memref<1x1x!tpu.dma_semaphore, #tpu.memory_space<semaphore_mem>>
      %dma_wait3A_220 = tpu.memref_squeeze %dma_wait3A_219 : memref<1x1x!tpu.dma_semaphore, #tpu.memory_space<semaphore_mem>> -> memref<!tpu.dma_semaphore, #tpu.memory_space<semaphore_mem>>
      %dma_wait3A_221 = arith.constant 0 : i32
      %dma_wait3A_222 = arith.constant 0 : i32
      %dma_wait3A_223 = tpu.memref_slice %arg4[%add3A_217, %dma_wait3A_221, %dma_wait3A_222] : memref<8192x64x128xf32, #tpu.memory_space<hbm>> -> memref<64x64x128xf32, #tpu.memory_space<hbm>>
      %dma_wait3A_224 = arith.constant 0 : i32
      %dma_wait3A_225 = arith.constant 0 : i32
      %dma_wait3A_226 = tpu.memref_slice %arg8[%add3A_215, %dma_wait3A_224, %dma_wait3A_225] : memref<512x64x128xf32, #tpu.memory_space<vmem>> -> memref<64x64x128xf32, #tpu.memory_space<vmem>>
      tpu.wait_dma2 semaphore(%dma_wait3A_220 : memref<!tpu.dma_semaphore, #tpu.memory_space<semaphore_mem>>) src(%dma_wait3A_226 : memref<64x64x128xf32, #tpu.memory_space<vmem>>) dst(%dma_wait3A_223 : memref<64x64x128xf32, #tpu.memory_space<hbm>>)
      %mul3A_227 = arith.constant 256 : i32
      %mul3A_228 = arith.muli %rem3A_0, %mul3A_227 : i32
      %add3A_229 = arith.constant 64 : i32
      %add3A_230 = arith.addi %mul3A_228, %add3A_229 : i32
      %add3A_231 = arith.constant 64 : i32
      %add3A_232 = arith.addi %mul3A_112, %add3A_231 : i32
      %dma_wait3A_233 = arith.constant 1 : i32
      %dma_wait3A_234 = tpu.memref_slice %arg9[%rem3A_0, %dma_wait3A_233] : memref<2x4x!tpu.dma_semaphore, #tpu.memory_space<semaphore_mem>> -> memref<1x1x!tpu.dma_semaphore, #tpu.memory_space<semaphore_mem>>
      %dma_wait3A_235 = tpu.memref_squeeze %dma_wait3A_234 : memref<1x1x!tpu.dma_semaphore, #tpu.memory_space<semaphore_mem>> -> memref<!tpu.dma_semaphore, #tpu.memory_space<semaphore_mem>>
      %dma_wait3A_236 = arith.constant 0 : i32
      %dma_wait3A_237 = arith.constant 0 : i32
      %dma_wait3A_238 = tpu.memref_slice %arg4[%add3A_232, %dma_wait3A_236, %dma_wait3A_237] : memref<8192x64x128xf32, #tpu.memory_space<hbm>> -> memref<64x64x128xf32, #tpu.memory_space<hbm>>
      %dma_wait3A_239 = arith.constant 0 : i32
      %dma_wait3A_240 = arith.constant 0 : i32
      %dma_wait3A_241 = tpu.memref_slice %arg8[%add3A_230, %dma_wait3A_239, %dma_wait3A_240] : memref<512x64x128xf32, #tpu.memory_space<vmem>> -> memref<64x64x128xf32, #tpu.memory_space<vmem>>
      tpu.wait_dma2 semaphore(%dma_wait3A_235 : memref<!tpu.dma_semaphore, #tpu.memory_space<semaphore_mem>>) src(%dma_wait3A_241 : memref<64x64x128xf32, #tpu.memory_space<vmem>>) dst(%dma_wait3A_238 : memref<64x64x128xf32, #tpu.memory_space<hbm>>)
      %mul3A_242 = arith.constant 256 : i32
      %mul3A_243 = arith.muli %sub3A_178, %mul3A_242 : i32
      %add3A_244 = arith.constant 128 : i32
      %add3A_245 = arith.addi %mul3A_243, %add3A_244 : i32
      %add3A_246 = arith.constant 128 : i32
      %add3A_247 = arith.addi %mul3A_182, %add3A_246 : i32
      %dma_wait3A_248 = arith.constant 2 : i32
      %dma_wait3A_249 = tpu.memref_slice %arg9[%sub3A_178, %dma_wait3A_248] : memref<2x4x!tpu.dma_semaphore, #tpu.memory_space<semaphore_mem>> -> memref<1x1x!tpu.dma_semaphore, #tpu.memory_space<semaphore_mem>>
      %dma_wait3A_250 = tpu.memref_squeeze %dma_wait3A_249 : memref<1x1x!tpu.dma_semaphore, #tpu.memory_space<semaphore_mem>> -> memref<!tpu.dma_semaphore, #tpu.memory_space<semaphore_mem>>
      %dma_wait3A_251 = arith.constant 0 : i32
      %dma_wait3A_252 = arith.constant 0 : i32
      %dma_wait3A_253 = tpu.memref_slice %arg4[%add3A_247, %dma_wait3A_251, %dma_wait3A_252] : memref<8192x64x128xf32, #tpu.memory_space<hbm>> -> memref<64x64x128xf32, #tpu.memory_space<hbm>>
      %dma_wait3A_254 = arith.constant 0 : i32
      %dma_wait3A_255 = arith.constant 0 : i32
      %dma_wait3A_256 = tpu.memref_slice %arg8[%add3A_245, %dma_wait3A_254, %dma_wait3A_255] : memref<512x64x128xf32, #tpu.memory_space<vmem>> -> memref<64x64x128xf32, #tpu.memory_space<vmem>>
      tpu.wait_dma2 semaphore(%dma_wait3A_250 : memref<!tpu.dma_semaphore, #tpu.memory_space<semaphore_mem>>) src(%dma_wait3A_256 : memref<64x64x128xf32, #tpu.memory_space<vmem>>) dst(%dma_wait3A_253 : memref<64x64x128xf32, #tpu.memory_space<hbm>>)
      %mul3A_257 = arith.constant 256 : i32
      %mul3A_258 = arith.muli %rem3A_0, %mul3A_257 : i32
      %add3A_259 = arith.constant 128 : i32
      %add3A_260 = arith.addi %mul3A_258, %add3A_259 : i32
      %add3A_261 = arith.constant 128 : i32
      %add3A_262 = arith.addi %mul3A_112, %add3A_261 : i32
      %dma_wait3A_263 = arith.constant 2 : i32
      %dma_wait3A_264 = tpu.memref_slice %arg9[%rem3A_0, %dma_wait3A_263] : memref<2x4x!tpu.dma_semaphore, #tpu.memory_space<semaphore_mem>> -> memref<1x1x!tpu.dma_semaphore, #tpu.memory_space<semaphore_mem>>
      %dma_wait3A_265 = tpu.memref_squeeze %dma_wait3A_264 : memref<1x1x!tpu.dma_semaphore, #tpu.memory_space<semaphore_mem>> -> memref<!tpu.dma_semaphore, #tpu.memory_space<semaphore_mem>>
      %dma_wait3A_266 = arith.constant 0 : i32
      %dma_wait3A_267 = arith.constant 0 : i32
      %dma_wait3A_268 = tpu.memref_slice %arg4[%add3A_262, %dma_wait3A_266, %dma_wait3A_267] : memref<8192x64x128xf32, #tpu.memory_space<hbm>> -> memref<64x64x128xf32, #tpu.memory_space<hbm>>
      %dma_wait3A_269 = arith.constant 0 : i32
      %dma_wait3A_270 = arith.constant 0 : i32
      %dma_wait3A_271 = tpu.memref_slice %arg8[%add3A_260, %dma_wait3A_269, %dma_wait3A_270] : memref<512x64x128xf32, #tpu.memory_space<vmem>> -> memref<64x64x128xf32, #tpu.memory_space<vmem>>
      tpu.wait_dma2 semaphore(%dma_wait3A_265 : memref<!tpu.dma_semaphore, #tpu.memory_space<semaphore_mem>>) src(%dma_wait3A_271 : memref<64x64x128xf32, #tpu.memory_space<vmem>>) dst(%dma_wait3A_268 : memref<64x64x128xf32, #tpu.memory_space<hbm>>)
      %mul3A_272 = arith.constant 256 : i32
      %mul3A_273 = arith.muli %sub3A_178, %mul3A_272 : i32
      %add3A_274 = arith.constant 192 : i32
      %add3A_275 = arith.addi %mul3A_273, %add3A_274 : i32
      %add3A_276 = arith.constant 192 : i32
      %add3A_277 = arith.addi %mul3A_182, %add3A_276 : i32
      %dma_wait3A_278 = arith.constant 3 : i32
      %dma_wait3A_279 = tpu.memref_slice %arg9[%sub3A_178, %dma_wait3A_278] : memref<2x4x!tpu.dma_semaphore, #tpu.memory_space<semaphore_mem>> -> memref<1x1x!tpu.dma_semaphore, #tpu.memory_space<semaphore_mem>>
      %dma_wait3A_280 = tpu.memref_squeeze %dma_wait3A_279 : memref<1x1x!tpu.dma_semaphore, #tpu.memory_space<semaphore_mem>> -> memref<!tpu.dma_semaphore, #tpu.memory_space<semaphore_mem>>
      %dma_wait3A_281 = arith.constant 0 : i32
      %dma_wait3A_282 = arith.constant 0 : i32
      %dma_wait3A_283 = tpu.memref_slice %arg4[%add3A_277, %dma_wait3A_281, %dma_wait3A_282] : memref<8192x64x128xf32, #tpu.memory_space<hbm>> -> memref<64x64x128xf32, #tpu.memory_space<hbm>>
      %dma_wait3A_284 = arith.constant 0 : i32
      %dma_wait3A_285 = arith.constant 0 : i32
      %dma_wait3A_286 = tpu.memref_slice %arg8[%add3A_275, %dma_wait3A_284, %dma_wait3A_285] : memref<512x64x128xf32, #tpu.memory_space<vmem>> -> memref<64x64x128xf32, #tpu.memory_space<vmem>>
      tpu.wait_dma2 semaphore(%dma_wait3A_280 : memref<!tpu.dma_semaphore, #tpu.memory_space<semaphore_mem>>) src(%dma_wait3A_286 : memref<64x64x128xf32, #tpu.memory_space<vmem>>) dst(%dma_wait3A_283 : memref<64x64x128xf32, #tpu.memory_space<hbm>>)
      %mul3A_287 = arith.constant 256 : i32
      %mul3A_288 = arith.muli %rem3A_0, %mul3A_287 : i32
      %add3A_289 = arith.constant 192 : i32
      %add3A_290 = arith.addi %mul3A_288, %add3A_289 : i32
      %add3A_291 = arith.constant 192 : i32
      %add3A_292 = arith.addi %mul3A_112, %add3A_291 : i32
      %dma_wait3A_293 = arith.constant 3 : i32
      %dma_wait3A_294 = tpu.memref_slice %arg9[%rem3A_0, %dma_wait3A_293] : memref<2x4x!tpu.dma_semaphore, #tpu.memory_space<semaphore_mem>> -> memref<1x1x!tpu.dma_semaphore, #tpu.memory_space<semaphore_mem>>
      %dma_wait3A_295 = tpu.memref_squeeze %dma_wait3A_294 : memref<1x1x!tpu.dma_semaphore, #tpu.memory_space<semaphore_mem>> -> memref<!tpu.dma_semaphore, #tpu.memory_space<semaphore_mem>>
      %dma_wait3A_296 = arith.constant 0 : i32
      %dma_wait3A_297 = arith.constant 0 : i32
      %dma_wait3A_298 = tpu.memref_slice %arg4[%add3A_292, %dma_wait3A_296, %dma_wait3A_297] : memref<8192x64x128xf32, #tpu.memory_space<hbm>> -> memref<64x64x128xf32, #tpu.memory_space<hbm>>
      %dma_wait3A_299 = arith.constant 0 : i32
      %dma_wait3A_300 = arith.constant 0 : i32
      %dma_wait3A_301 = tpu.memref_slice %arg8[%add3A_290, %dma_wait3A_299, %dma_wait3A_300] : memref<512x64x128xf32, #tpu.memory_space<vmem>> -> memref<64x64x128xf32, #tpu.memory_space<vmem>>
      tpu.wait_dma2 semaphore(%dma_wait3A_295 : memref<!tpu.dma_semaphore, #tpu.memory_space<semaphore_mem>>) src(%dma_wait3A_301 : memref<64x64x128xf32, #tpu.memory_space<vmem>>) dst(%dma_wait3A_298 : memref<64x64x128xf32, #tpu.memory_space<hbm>>)
      %get3A_302 = arith.constant 0 : index
      %get3A_303 = arith.constant 0 : index
      %get3A_304 = vector.load %arg7[%get3A_302, %get3A_303] : memref<1x64xf32, #tpu.memory_space<vmem>>, vector<1x64xf32>
      %get3A_305 = arith.constant 0 : index
      %get3A_306 = arith.constant 0 : index
      %get3A_307 = vector.load %arg6[%get3A_305, %get3A_306] : memref<1x64xf32, #tpu.memory_space<vmem>>, vector<1x64xf32>
      %mul3A_308 = arith.mulf %get3A_304, %get3A_307 : vector<1x64xf32>
      %reduce_sum3A_309 = vector.shape_cast %mul3A_308 : vector<1x64xf32> to vector<1x1x64xf32>
      %reduce_sum3A_310 = arith.constant dense<0.000000e+00> : vector<1xf32>
      %reduce_sum3A_311 = vector.multi_reduction <add>, %reduce_sum3A_309, %reduce_sum3A_310 [1, 2] : vector<1x1x64xf32> to vector<1xf32>
      %reduce_sum3A_312 = vector.shape_cast %reduce_sum3A_311 : vector<1xf32> to vector<1x1x1xf32>
      %reduce_sum3A_313 = vector.extract %reduce_sum3A_312[0, 0, 0] : f32 from vector<1x1x1xf32>
      %broadcast_in_dim3A_314 = arith.constant 6.400000e+01 : f32
      %broadcast_in_dim3A_315 = vector.broadcast %broadcast_in_dim3A_314 : f32 to vector<1x1xf32>
      %mul3A_316 = vector.broadcast %reduce_sum3A_313 : f32 to vector<1x1xf32>
      %mul3A_317 = arith.mulf %broadcast_in_dim3A_315, %mul3A_316 : vector<1x1xf32>
      %div3A_318 = arith.constant 0x4C800000 : f32
      %div3A_319 = vector.broadcast %div3A_318 : f32 to vector<1x1xf32>
      %div3A_320 = arith.divf %mul3A_317, %div3A_319 : vector<1x1xf32>
      %swap3A_321 = arith.constant 0 : index
      %swap3A_322 = arith.constant 0 : index
      %swap3A_323 = vector.load %arg3[%swap3A_321, %swap3A_322] : memref<1x1xf32, #tpu.memory_space<vmem>>, vector<1x1xf32>
      tpu.vector_store %arg3[%swap3A_321, %swap3A_322], %div3A_320 {strides = array<i32>} : memref<1x1xf32, #tpu.memory_space<vmem>>, vector<1x1xf32>,
    } else {
    }
    return
  }
  func.func @transform_0(%arg0: i32) -> (i32, i32) {
    %c0_i32 = arith.constant 0 : i32
    %c0_i32_0 = arith.constant 0 : i32
    return %arg0, %c0_i32 : i32, i32
  }
  func.func @transform_1(%arg0: i32) -> (i32, i32) {
    %c0_i32 = arith.constant 0 : i32
    %c0_i32_0 = arith.constant 0 : i32
    %c0_i32_1 = arith.constant 0 : i32
    return %c0_i32, %c0_i32_0 : i32, i32
  }
  func.func @transform_2(%arg0: i32) -> (i32, i32) {
    %c0_i32 = arith.constant 0 : i32
    %c0_i32_0 = arith.constant 0 : i32
    %c0_i32_1 = arith.constant 0 : i32
    return %c0_i32, %c0_i32_0 : i32, i32
  }
  func.func @transform_4(%arg0: i32) -> (i32, i32) {
    %c0_i32 = arith.constant 0 : i32
    %c0_i32_0 = arith.constant 0 : i32
    return %arg0, %c0_i32 : i32, i32
  }
}

</mosaic_0001>

<sc_bundles>
// kernel: sparse-core-data-format-call.cloned.1.call-start
scs
called_computation_lowered:
.L_overlay_start_0:
0x0: {  	s2 =	sld [smem:$0x3FD9]  }
0x1: {  	s3 =	sld [smem:$0x3FFE];
	_ =	sdelay $0x1  }
0x2: {  	s1 =	srdreg.scid  }
0x3: {  	s0 =	sand.u32 $0x1, s1  }
0x4: {  	s15 =	sshll.u32 s0, $0xA;
	s2 =	sadd.s32 s3, s2  }
0x5: {  	s2 =	sadd.s32 s2, s15  }
0x6: {  	[smem:$0x3FC6] =	sst s2  }
0x7: {  	_ = 	snop  }
0x8: {  	s2 =	sld [smem:$0x3FD0];
	_ =	sdelay $0x2  }
0x9: {  	s16 =	simm.s32 $0xA;
	s4 =	simm.s32 $0x10  }
0xa: {  	[smem:s4], [sflag:s16] =	dma.local [hbm:s2], $0x1  }
0xb: {  	_ =	swait.eq [sflag:s16], $0x1  }
0xc: {  	[sflag:s16] =	ssyncset.done $0x0  }
0xd: {  	[sflag:s16] =	ssyncadd.s32 $0xFFFFFFFF  }
0xe: {  	s17 =	sld [smem:$0x12];
	(tm) =	ssettm $0x1  }
0xf: {  	s18 =	sld [smem:$0x3FFB];
	_ =	sdelay $0x3  }
0x10: {  	_ =	strace s18  }
0x11: {  	s3 =	sld [smem:$0x3FFC];
	_ =	sdelay $0x3  }
0x12: {  	_ =	strace s3  }
0x13: {  	s3 =	sld [smem:$0x3FFD];
	_ =	sdelay $0x3  }
0x14: {  	_ =	strace s3  }
0x15: {  	_ =	strace $0x8FFFFFFF  }
0x16: {  	s19 =	sld [smem:$0x3FDB];
	_ =	sdelay $0x1  }
0x17: {  	s20 =	simm.s32 $_scs_section_size  }
0x18: {  	s5 =	simm.s32 $_size__tile_overlayer_lowered;
	s6 =	simm.s32 $_tile_overlayer_lowered  }
0x19: {  	s23 =	simm.s32 $0x1BFF;
	s22 =	sshll.u32 s6, $0x1;
	s3 =	sadd.s32 s20, s19  }
0x1a: {  	s7 =	simm.s32 $0x0;
	s21 =	sshll.u32 s5, $0x1;
	s5 =	sadd.s32 s22, s3  }
0x1b: {  	[timem:s7], [sflag:s23] =	dma.local [hbm:s5], s21  }
0x1c: {  	_ =	swait.ge [sflag:s23], s21  }
0x1d: {  	s4 =	ssub.s32 $0x0, s21;
	[sflag:s23] =	ssyncset.done $0x0  }
0x1e: {  	[sflag:s23] =	ssyncadd.s32 s4;
	_ =	sdelay $0x1  }
0x1f: {  	s24 =	simm.s32 $0x1B8B  }
0x20: {  	_ =	swait.ge [sflag:s24], $0x1  }
0x21: {  	[sflag:s24] =	ssyncset.done $0x0  }
0x22: {  	s26 =	simm.s32 $0x1B8E;
	s25 =	sld [smem:$0x3FFE];
	[sflag:s24] =	ssyncadd.s32 $0xFFFFFFFF  }
0x23: {  	s27 =	simm.s32 $execute0_lowered;
	[smem:$0x3FD2] =	sst s26  }
0x24: {  	s5 =	sshll.u32 s27, $0x1;
	_ =	strace $0x80000046;
	[dreg:$0x1] =	wrdreg $0xFFFFFFFF  }
0x25: {  	s28 =	simm.s32 $_size_execute0_lowered;
	s3 =	sadd.s32 s3, s5;
	[dreg:$0x0] =	wrdreg $0x0  }
0x26: {  	s5 =	sshll.u32 s28, $0x1;
	[dreg:$0x2] =	wrdreg s3  }
0x27: {  	[dreg:$0x3] =	wrdreg s5  }
0x28: {  	[dreg:$0x4] =	wrdreg $0xC0  }
0x29: {  	_ =	task [dreg:s7], $0x5FFFF  }
0x2a: {  	[dreg:$0x1] =	wrdreg $0xFFFFFFFF  }
0x2b: {  	[dreg:$0x0] =	wrdreg $0x60  }
0x2c: {  	[dreg:$0x2] =	wrdreg s25  }
0x2d: {  	[dreg:$0x3] =	wrdreg s17  }
0x2e: {  	[dreg:$0x4] =	wrdreg $0x9  }
0x2f: {  	_ =	task.clear_ibuf [dreg:s7], $0x5FFFF;
	_ =	strace $0x90000046  }
0x30: {  	s29 =	simm.s32 $0x9;
	_ =	strace $0x80000048  }
0x31: {  	_ =	swait.ge [sflag:s29], $0x1  }
0x32: {  	[sflag:s29] =	ssyncadd.s32 $0xFFFFFFFF  }
0x33: {  	_ =	strace $0x90000048  }
0x34: {  	_ =	sfence  }
0x35: {  	s30 =	sld [smem:$0x0];
	_ =	sdelay $0x2  }
0x36: {  	s31 =	sshll.u32 s1, $0xD;
	s1 =	sshrl.u32 s1, $0x2  }
0x37: {  	s3 =	sand.u32 $0x4000, s31;
	s1 =	sadd.s32 s1, s30  }
0x38: {  	s0 =	sor.u32 s3, s0;
	s1 =	sshll.u32 s1, $0x11  }
0x39: {  	s0 =	sor.u32 s1, s0  }
0x3a: {  	s0 =	sadd.s32 $0x8F2B, s0  }
0x3b: {  	[sflag:s0] =	ssyncadd.remote.s32 $0x1  }
0x3c: {  	_ =	sfence.sel $0xFFFF  }
0x3d: {  	[dreg:$0x0] =	wrdreg $0xFFFFFFFF;
	(pc) =	sbr.abs _section_cstart, $3  }
0x3e: {  	[dreg:$0x1] =	wrdreg $0xFFFFFFFF  }
0x3f: {  	_ =	task.clear_ibuf [dreg:s7], $0x2FFFF;
	_ =	strace $0x9FFFFFFF  }
0x40: {  	(tm) =	ssettm $0x7FFFFFFF  }
0x41: {  	_ =	shalt  }
tec
execute0_lowered:
.L_overlay_start_1:
0x0: {  	(tag) =	ssettag $0x1  }
0x1: {  	s0 =	stileid.u32  }
0x2: {  	s2 =	srdreg.scid;
	s7 =	rddreg [dreg:$0x0];
	s8 =	simm.s32 $0x1  }
0x3: {  	s31 =	simm.s32 $0x2;
	s15 =	simm.s32 $0x0;
	s14 =	simm.s32 $0x0  }
0x4: {  	s16 =	simm.s32 $0x0;
	s11 =	simm.s32 $0x0;
	s13 =	simm.s32 $0x0  }
0x5: {  	s1 =	sshll.u32 s0, $0x2;
	s3 =	sshll.u32 s2, $0x7;
	s2 =	rddreg [dreg:$0x1]  }
0x6: {  	s7 =	sadd.s32 $0x800800, s7;
	s3 =	sand.u32 $0x80, s3;
	s4 =	ssub.s32 $0x40, s1  }
0x7: {  	s5 =	sshrl.u32 s4, $0x6;
	s4 =	sand.u32 $0x3C, s4;
	s6 =	ssub.s32 $0x2000, s3  }
0x8: {  	p0 =	sne.s32 s4, $0x0;
	s30 =	sshrl.u32 s6, $0x7;
	s6 =	sshrl.u32 s6, $0x8  }
.Ltmp0:
0x9: {  	s8 =	simm.s32 @!p0 $0x0;
	s9 =	sand.u32 $0x1, s30;
	(pc) =	sbr.rel .LBB1_1-.Ltmp0, $4  }
0xa: {  	s4 =	rddreg [dreg:$0x2];
	s8 =	sadd.s32 s8, s5;
	s6 =	sadd.s32 s6, s9  }
0xb: {  	_ =	strace $0x80000047;
	s5 =	simm.s32 $0x1;
	s6 =	smul.u32 s8, s6  }
0xc: {  	s12 =	smov.u32 s1;
	s10 =	smov.u32 s3;
	[sflag:s5] =	ssyncpa.u1 $0x0  }
0xd: {  	s9 =	simm.s32 $0x800;
	[sflag:s31] =	ssyncpa.u1 $0x0;
	s8 =	sadd.s32 $0x1, s6  }
.LBB1_7:
0xe: {  	s17 =	sadd.s32 $0x100, s10  }
0xf: {  	s14 =	sadd.s32 $0x80, s11;
	s18 =	smov.u32 s11;
	p1 =	sgt.s32 s17, $0x1FFF  }
0x10: {  	s18 =	smov.u32 @p1 s14  }
0x11: {  	s20 =	smov.u32 s12;
	s14 =	sadd.s32 $0x40, s12;
	p2 =	sgt.s32 s18, $0x7F  }
0x12: {  	s20 =	smov.u32 @p2 s14  }
0x13: {  	s17 =	smov.u32 @p1 s3;
	p1 =	sgt.s32 s20, $0x3F  }
0x14: {  	p0 =	slt.u32 s13, $0x2;
	s20 =	smov.u32 @p1 s1;
	p1 =	sne.s32 s13, s8  }
.Ltmp1:
0x15: {  	s19 =	simm.s32 @!p0 $0x2;
	(pc) =	sbr.rel @!p1 .LBB1_8-.Ltmp1, $4  }
0x16: {  	s15 =	smov.u32 s10;
	_ =	swait.ge @!p0 [sflag:s19], $0x4000  }
0x17: {  	s16 =	smov.u32 s12;
	[sflag:s19] =	ssyncset.done @!p0 $0x0;
	s10 =	smov.u32 s17  }
0x18: {  	s18 =	simm.s32 @p2 $0x0;
	s14 =	smov.u32 s11;
	[sflag:s19] =	ssyncadd.s32 @!p0 $0xFFFFC000  }
0x19: {  	s11 =	smov.u32 s18;
	s13 =	sadd.s32 $0x1, s13;
	s12 =	smov.u32 s20  }
.LBB1_1:
0x1a: {  	p0 =	sge.u32 s13, s6  }
0x1b: {  	s31 =	sadd.s32 $0xFFFFFFFF, s13;
	s17 =	sshll.u32 @!p0 s11, $0xD  }
0x1c: {  	s18 =	sxor.u32 @!p0 $0xFFFFFFFF, s13;
	s19 =	sshll.u32 @!p0 s10, $0x5;
	s20 =	sshll.u32 @!p0 s11, $0x7  }
0x1d: {  	s21 =	sshll.u32 @!p0 s10, $0x2;
	s17 =	sand.u32 @!p0 $0xC0000, s17;
	s20 =	sand.u32 @!p0 $0xE00, s20  }
0x1e: {  	s21 =	sand.u32 @!p0 $0x1E0, s21;
	s17 =	sadd.s32 @!p0 s17, s19;
	s19 =	sand.u32 @!p0 $0x1000, s19  }
0x1f: {  	s19 =	sor.u32 @!p0 s20, s19;
	s20 =	sshll.u32 @!p0 s12, $0xF;
	s17 =	sshrl.u32 @!p0 s17, $0x5  }
0x20: {  	s19 =	sor.u32 @!p0 s21, s19;
	s17 =	sand.u32 @!p0 $0x7F00, s17;
	s20 =	sadd.s32 @!p0 s7, s20  }
0x21: {  	s19 =	sshrl.u32 @!p0 s19, $0x5;
	s17 =	sadd.s32 @!p0 s17, s20;
	s20 =	sand.u32 @!p0 $0x7, s10  }
0x22: {  	s18 =	sshll.u32 @!p0 s18, $0xE;
	s17 =	sadd.s32 @!p0 s19, s17;
	s19 =	sshll.u32 @!p0 s20, $0x12  }
0x23: {  	s18 =	sand.u32 @!p0 $0x4000, s18;
	s20 =	simm.s32 @!p0 $0x10000;
	s19 =	sor.u32 @!p0 $0x400, s19  }
0x24: {  	[tilespmem:s18], [sflag:$0x1] =	stream.strided.gather @!p0 [hbm4b:s17+s19], $0x4000, s20, s19, $0x38;
	[tilespmem:$0x10100] =	vst v63  }
0x25: {  	p0 =	sge.u32 s31, s6  }
.Ltmp2:
0x26: {  	_ = 	snop;
	(pc) =	sbr.rel @p0 .LBB1_7-.Ltmp2, $1  }
0x27: {  	_ =	sdelay $0x3  }
0x28: {  	s17 =	sand.u32 $0x1, s13  }
0x29: {  	_ =	swait.ge [sflag:s5], $0x4000;
	s18 =	smul.u32 $0x10200, s17  }
0x2a: {  	[sflag:s5] =	ssyncset.done $0x0  }
0x2b: {  	[sflag:s5] =	ssyncadd.s32 $0xFFFFC000;
	s19 =	sshrl.u32 s18, $0x2  }
0x2c: {  	s18 =	sshll.u32 s17, $0xE;
	s17 =	sor.u32 $0x8000, s19;
	s19 =	simm.s32 $0x0  }
.LBB1_3:
0x2d: {  	s20 =	sshll.u32 s19, $0x5  }
0x2e: {  	s20 =	sand.u32 $0x3FFFFFE0, s20  }
0x2f: {  	s24 =	sadd.s32 s20, s18  }
0x30: {  	v0 =	vmov s24  }
0x31: {  	s31 =	sshll.u32 s19, $0x2  }
0x32: {  	p0 =	por $0x1, $0x1;
	s21 =	sor.u32 $0x4, s31;
	s22 =	sor.u32 $0x8, s31  }
0x33: {  	s23 =	sor.u32 $0xC, s31;
	s20 =	sshrl.u32 s31, $0x2;
	s21 =	sshrl.u32 s21, $0x2  }
0x34: {  	s22 =	sshrl.u32 s22, $0x2;
	s23 =	sshrl.u32 s23, $0x2;
	s24 =	simm.s32 $0x0  }
.LBB1_4:
0x35: {  	v1 =	vld.idx.msk [tilespmem:v0+s24+$0x0 ss:$0x1], $0xffff  }
0x36: {  	v2 =	vld.idx.msk [tilespmem:v0+s24+$0x1000 ss:$0x1], $0xffff;
	_ =	sdelay $0x1  }
0x37: {  	v3 =	vld.idx.msk [tilespmem:v0+s24+$0x2000 ss:$0x1], $0xffff  }
0x38: {  	v6 =	vld.idx.msk [tilespmem:v0+s24+$0x3000 ss:$0x1], $0xffff  }
0x39: {  	v17 =	vld.idx.msk [tilespmem:v0+s24+$0x10 ss:$0x1], $0xffff;
	v4 =	vshrl.u32 v1, $0x10;
	v5 =	vshrl.u32 v1, $0x8  }
0x3a: {  	v7 =	vshrl.u32 v1, $0x18;
	v1 =	vand.u32 $0xFF, v1;
	v8 =	vshrl.u32 v2, $0x10  }
0x3b: {  	v47 =	vld.idx.msk [tilespmem:v0+s24+$0x1010 ss:$0x1], $0xffff;
	v9 =	vshrl.u32 v2, $0x8;
	v10 =	vshrl.u32 v2, $0x18;
	v2 =	vand.u32 $0xFF, v2  }
0x3c: {  	v51 =	vld.idx.msk [tilespmem:v0+s24+$0x2010 ss:$0x1], $0xffff;
	v11 =	vshrl.u32 v3, $0x10;
	v12 =	vshrl.u32 v3, $0x8;
	v13 =	vshrl.u32 v3, $0x18  }
0x3d: {  	v54 =	vld.idx.msk [tilespmem:v0+s24+$0x3010 ss:$0x1], $0xffff;
	v3 =	vand.u32 $0xFF, v3;
	v14 =	vshrl.u32 v6, $0x18;
	v15 =	vshrl.u32 v6, $0x10  }
0x3e: {  	v16 =	vshrl.u32 v6, $0x8;
	v6 =	vand.u32 $0xFF, v6;
	v52 =	vshrl.u32 v17, $0x10  }
0x3f: {  	v53 =	vshrl.u32 v17, $0x8;
	v55 =	vshrl.u32 v17, $0x18;
	v56 =	vand.u32 $0xFF, v17  }
0x40: {  	v57 =	vshrl.u32 v47, $0x10;
	v58 =	vshrl.u32 v47, $0x8;
	v59 =	vshrl.u32 v47, $0x18  }
0x41: {  	v60 =	vshrl.u32 v51, $0x10;
	v61 =	vshrl.u32 v51, $0x8;
	v62 =	vshrl.u32 v51, $0x18  }
0x42: {  	s25 =	sor.u32 $0x20, s24;
	v18 =	vshrl.u32 v54, $0x18;
	v19 =	vshrl.u32 v54, $0x10;
	v20 =	vshrl.u32 v54, $0x8  }
0x43: {  	v63 =	vld.idx.msk [tilespmem:v0+s25+$0x0 ss:$0x1], $0xffff;
	v4 =	vand.u32 $0xFF, v4;
	v5 =	vand.u32 $0xFF, v5;
	v8 =	vand.u32 $0xFF, v8  }
0x44: {  	v23 =	vld.idx.msk [tilespmem:v0+s25+$0x1000 ss:$0x1], $0xffff;
	v9 =	vand.u32 $0xFF, v9;
	v11 =	vand.u32 $0xFF, v11;
	v12 =	vand.u32 $0xFF, v12  }
0x45: {  	v25 =	vld.idx.msk [tilespmem:v0+s25+$0x2000 ss:$0x1], $0xffff;
	v15 =	vand.u32 $0xFF, v15;
	v16 =	vand.u32 $0xFF, v16;
	v1 =	vpack.i.b32.b16 v3, v1  }
0x46: {  	v28 =	vld.idx.msk [tilespmem:v0+s25+$0x3000 ss:$0x1], $0xffff;
	v2 =	vpack.i.b32.b16 v6, v2;
	v49 =	vpack.i.b32.b16 v13, v7;
	v50 =	vpack.i.b32.b16 v14, v10  }
0x47: {  	v6 =	vand.u32 $0xFF, v52;
	v13 =	vand.u32 $0xFF, v58;
	v7 =	vand.u32 $0xFF, v51  }
0x48: {  	v19 =	vand.u32 $0xFF, v19;
	v20 =	vand.u32 $0xFF, v20;
	v26 =	vpack.i.b32.b16 v62, v55  }
0x49: {  	v27 =	vpack.i.b32.b16 v18, v59;
	v29 =	vshrl.u32 v63, $0x10;
	v30 =	vshrl.u32 v63, $0x8  }
0x4a: {  	v31 =	vshrl.u32 v63, $0x18;
	v32 =	vshrl.u32 v23, $0x10;
	v33 =	vshrl.u32 v23, $0x8  }
0x4b: {  	s26 =	smul.u32 $0x204, s24;
	s24 =	sor.u32 $0x30, s24;
	v34 =	vshrl.u32 v23, $0x18;
	v35 =	vand.u32 $0xFF, v25;
	v36 =	vand.u32 $0xFF, v28  }
0x4c: {  	s27 =	sand.u32 $0x60, s24;
	v37 =	vshrl.u32 v25, $0x8;
	v38 =	vshrl.u32 v28, $0x8;
	v39 =	vshrl.u32 v25, $0x18  }
0x4d: {  	v40 =	vld.idx.msk [tilespmem:v0+s27+$0x10 ss:$0x1], $0xffff;
	v41 =	vshrl.u32 v28, $0x10;
	v1 =	vpack.i.b16.b8 v2, v1;
	v2 =	vpack.i.b32.b16 v12, v5  }
0x4e: {  	v43 =	vld.idx.msk [tilespmem:v0+s27+$0x1010 ss:$0x1], $0xffff;
	v3 =	vpack.i.b32.b16 v16, v9;
	v48 =	vpack.i.b32.b16 v15, v8;
	v8 =	vand.u32 $0xFF, v53  }
0x4f: {  	v12 =	vand.u32 $0xFF, v57;
	v5 =	vand.u32 $0xFF, v47;
	v15 =	vand.u32 $0xFF, v60  }
0x50: {  	v46 =	vld.idx.msk [tilespmem:v0+s27+$0x2010 ss:$0x1], $0xffff;
	v16 =	vand.u32 $0xFF, v61;
	v9 =	vand.u32 $0xFF, v54;
	v7 =	vpack.i.b32.b16 v7, v56  }
0x51: {  	v22 =	vpack.i.b32.b16 v20, v13;
	v10 =	vand.u32 $0xFF, v29;
	v14 =	vand.u32 $0xFF, v30  }
0x52: {  	v17 =	vand.u32 $0xFF, v33;
	v20 =	vand.u32 $0xFF, v38;
	v42 =	vand.u32 $0xFF, v41  }
0x53: {  	v45 =	vpack.i.b32.b16 v39, v31;
	v47 =	vshrl.u32 v40, $0x8;
	v51 =	vshrl.u32 v43, $0x10  }
0x54: {  	v52 =	vshrl.u32 v43, $0x8;
	v53 =	vshrl.u32 v43, $0x18;
	v54 =	vand.u32 $0xFF, v43  }
0x55: {  	v55 =	vshrl.u32 v46, $0x10;
	v56 =	vshrl.u32 v46, $0x8;
	v57 =	vshrl.u32 v46, $0x18  }
0x56: {  	v58 =	vand.u32 $0xFF, v46;
	v2 =	vpack.i.b16.b8 v3, v2;
	v3 =	vpack.i.b32.b16 v11, v4  }
0x57: {  	v4 =	vpack.i.b16.b8 v50, v49;
	v5 =	vpack.i.b32.b16 v9, v5;
	v21 =	vpack.i.b32.b16 v16, v8  }
0x58: {  	s26 =	sshra.s32 s26, $0x2;
	v6 =	vpack.i.b32.b16 v15, v6;
	v24 =	vpack.i.b32.b16 v19, v12;
	v8 =	vpack.i.b16.b8 v27, v26  }
0x59: {  	s26 =	sadd.s32 s26, s17;
	v11 =	vand.u32 $0xFF, v63;
	v16 =	vand.u32 $0xFF, v32;
	v9 =	vand.u32 $0xFF, v23  }
0x5a: {  	s28 =	sadd.s32 s20, s26;
	v19 =	vand.u32 $0xFF, v37;
	v12 =	vshrl.u32 v25, $0x10;
	v17 =	vpack.i.b32.b16 v20, v17  }
0x5b: {  	s29 =	sadd.s32 s21, s26;
	[tilespmem:s28+$0x0 ss:$0x81] =	vst.msk $0xffff, v1;
	v49 =	vshrl.u32 v40, $0x18;
	v50 =	vand.u32 $0xFF, v40;
	v13 =	vand.u32 $0xFF, v51  }
0x5c: {  	s30 =	sadd.s32 s22, s26;
	s31 =	sadd.s32 s23, s26;
	s26 =	sadd.s32 $0x810, s26;
	v15 =	vand.u32 $0xFF, v52;
	v3 =	vpack.i.b16.b8 v48, v3;
	v5 =	vpack.i.b16.b8 v5, v7;
	[tilespmem:s29+$0x0 ss:$0x81] =	vst.msk $0xffff, v2  }
0x5d: {  	s25 =	smul.u32 $0x204, s25;
	s28 =	sadd.s32 s20, s26;
	v7 =	vpack.i.b16.b8 v22, v21;
	v6 =	vpack.i.b16.b8 v24, v6;
	v11 =	vpack.i.b32.b16 v35, v11;
	[tilespmem:s30+$0x0 ss:$0x81] =	vst.msk $0xffff, v3  }
0x5e: {  	v9 =	vpack.i.b32.b16 v36, v9;
	v14 =	vpack.i.b32.b16 v19, v14;
	v1 =	vand.u32 $0xFF, v12;
	[tilespmem:s28+$0x0 ss:$0x81] =	vst.msk $0xffff, v5  }
0x5f: {  	s25 =	sshra.s32 s25, $0x2;
	v2 =	vshrl.u32 v28, $0x18;
	v44 =	vpack.i.b32.b16 v42, v16;
	v48 =	vld.idx.msk [tilespmem:v0+s27+$0x3010 ss:$0x1], $0xffff;
	s29 =	sadd.s32 s21, s26;
	v16 =	vand.u32 $0xFF, v55;
	[tilespmem:s31+$0x0 ss:$0x81] =	vst.msk $0xffff, v4  }
0x60: {  	s25 =	sadd.s32 s25, s17;
	v9 =	vpack.i.b16.b8 v9, v11;
	v14 =	vpack.i.b16.b8 v17, v14;
	v1 =	vpack.i.b32.b16 v1, v10;
	s30 =	sadd.s32 s22, s26;
	[tilespmem:s29+$0x0 ss:$0x81] =	vst.msk $0xffff, v7  }
0x61: {  	v2 =	vpack.i.b32.b16 v2, v34;
	v3 =	vshrl.u32 v40, $0x10;
	v10 =	vand.u32 $0xFF, v47;
	s31 =	sadd.s32 s20, s25;
	[tilespmem:s30+$0x0 ss:$0x81] =	vst.msk $0xffff, v6  }
0x62: {  	s24 =	smul.u32 $0x204, s24;
	s26 =	sadd.s32 s23, s26;
	v17 =	vand.u32 $0xFF, v56;
	v5 =	vpack.i.b32.b16 v58, v50;
	v1 =	vpack.i.b16.b8 v44, v1;
	[tilespmem:s31+$0x0 ss:$0x81] =	vst.msk $0xffff, v9  }
0x63: {  	s27 =	sadd.s32 s21, s25;
	v2 =	vpack.i.b16.b8 v2, v45;
	v3 =	vand.u32 $0xFF, v3;
	v62 =	vpack.i.b32.b16 v17, v10;
	[tilespmem:s26+$0x0 ss:$0x81] =	vst.msk $0xffff, v8  }
0x64: {  	s24 =	sshra.s32 s24, $0x2;
	s28 =	sadd.s32 s22, s25;
	v3 =	vpack.i.b32.b16 v16, v3;
	[tilespmem:s27+$0x0 ss:$0x81] =	vst.msk $0xffff, v14;
	v61 =	vshrl.u32 v48, $0x8;
	v4 =	vand.u32 $0xFF, v48  }
0x65: {  	p1 =	por p0, p0;
	s24 =	sadd.s32 s24, s17;
	s25 =	sadd.s32 s23, s25;
	v60 =	vshrl.u32 v48, $0x10;
	[tilespmem:s28+$0x0 ss:$0x81] =	vst.msk $0xffff, v1;
	v9 =	vand.u32 $0xFF, v61;
	v4 =	vpack.i.b32.b16 v4, v54  }
.Ltmp3:
0x66: {  	s29 =	sadd.s32 s20, s24;
	v1 =	vand.u32 $0xFF, v60;
	[tilespmem:s25+$0x0 ss:$0x81] =	vst.msk $0xffff, v2;
	v2 =	vpack.i.b16.b8 v4, v5;
	v63 =	vpack.i.b32.b16 v9, v15;
	(pc) =	sbr.rel @p1 .LBB1_4-.Ltmp3, $4  }
0x67: {  	s30 =	sadd.s32 s21, s24;
	v59 =	vshrl.u32 v48, $0x18;
	v1 =	vpack.i.b32.b16 v1, v13;
	[tilespmem:s29+$0x0 ss:$0x81] =	vst.msk $0xffff, v2;
	v2 =	vpack.i.b16.b8 v63, v62  }
0x68: {  	s31 =	sadd.s32 s22, s24;
	v1 =	vpack.i.b16.b8 v1, v3;
	v3 =	vpack.i.b32.b16 v59, v53;
	[tilespmem:s30+$0x0 ss:$0x81] =	vst.msk $0xffff, v2;
	v2 =	vpack.i.b32.b16 v57, v49  }
0x69: {  	s24 =	sadd.s32 s23, s24;
	[tilespmem:s31+$0x0 ss:$0x81] =	vst.msk $0xffff, v1;
	v1 =	vpack.i.b16.b8 v3, v2  }
0x6a: {  	p0 =	por $0x0, $0x0;
	[tilespmem:s24+$0x0 ss:$0x81] =	vst.msk $0xffff, v1;
	s24 =	simm.s32 $0x40  }
0x6b: {  	p0 =	slt.u32 s19, $0x7C  }
.Ltmp4:
0x6c: {  	_ = 	snop;
	(pc) =	sbr.rel @p0 .LBB1_3-.Ltmp4, $3  }
0x6d: {  	_ =	sdelay $0x1  }
0x6e: {  	s20 =	sadd.s32 $0x4, s19  }
0x6f: {  	s19 =	smov.u32 s20  }
0x70: {  	s16 =	sshll.u32 s16, $0x7;
	s18 =	sshll.u32 s14, $0x5  }
0x71: {  	s28 =	sshll.u32 s14, $0x2;
	s19 =	sand.u32 $0x1000, s16;
	s18 =	sand.u32 $0x1000, s18  }
0x72: {  	s15 =	sshll.u32 s15, $0x8;
	s16 =	sand.u32 $0xE00, s16;
	s18 =	sadd.s32 s19, s18  }
0x73: {  	s30 =	sshrl.u32 s14, $0x3;
	s29 =	sand.u32 $0x180, s28;
	s16 =	sor.u32 s16, s18  }
.Ltmp5:
0x74: {  	s31 =	sand.u32 $0x7, s14;
	s16 =	sor.u32 s29, s16;
	(pc) =	sbr.rel .LBB1_7-.Ltmp5, $4  }
0x75: {  	s15 =	sadd.s32 s2, s15;
	s18 =	sand.u32 $0x3, s30;
	s16 =	sshrl.u32 s16, $0x5  }
0x76: {  	s14 =	sshll.u32 s31, $0x12;
	s15 =	sadd.s32 s18, s15;
	s16 =	sand.u32 $0xFC, s16  }
0x77: {  	s14 =	sor.u32 $0x80, s14;
	s15 =	sadd.s32 s16, s15  }
0x78: {  	[hbm4b:s15+s14] =	stream.strided.scatter [tilespmem:s17], [sflag:$0x2], $0x4000, s9, s14, $0x20;
	[tilespmem:$0x10100] =	vst v63  }
.LBB1_8:
0x79: {  	_ =	sfence.sel $0x180000  }
0x7a: {  	s1 =	simm.s32 $0x1;
	[bflag:$0x0] =	sbarrier.arrive $0xFFFF  }
0x7b: {  	s31 =	simm.s32 $0x2;
	[sflag:s1] =	ssyncpa.u1 $0x1  }
0x7c: {  	[sflag:s31] =	ssyncpa.u1 $0x1  }
0x7d: {  	p0 =	sne.s32 s0, $0x0;
	_ =	strace $0x90000047  }
0x7e: {  	s0 =	sadd.s32 @!p0 $0x100000, s4;
	[bflag:$0x2] =	sbarrier.arrive $0xFFFF  }
0x7f: {  	[sflag:s0] =	ssyncadd.tile.s32 @!p0 $0x1;
	_ =	shalt  }
.Lfunc_end1:
_tile_overlayer_lowered:
.L_overlay_start_2:
0x80: {  	(tag) =	ssettag $0x2  }
0x81: {  	s0 =	rddreg [dreg:$0x0];
	s2 =	stileid.u32  }
0x82: {  	s1 =	rddreg [dreg:$0x1];
	p0 =	sne.s32 s2, $0x0  }
0x83: {  	s3 =	rddreg [dreg:$0x2];
	[bflag:$0x3] =	sbarrier.arrive $0xFFFF;
	s2 =	simm.s32 @!p0 $0x1C01  }
0x84: {  	[timem:s3], [sflag:s2] =	dma.local @!p0 [hbm:s0], s1  }
0x85: {  	s0 =	simm.s32 @!p0 $0x1  }
0x86: {  	_ =	swait.ge @!p0 [sflag:s0], s1  }
0x87: {  	s1 =	ssub.s32 @!p0 $0x0, s1;
	[sflag:s0] =	ssyncset.done @!p0 $0x0  }
0x88: {  	[sflag:s0] =	ssyncadd.s32 @!p0 s1  }
0x89: {  	[bflag:$0x3] =	sbarrier.arrive $0xFFFF  }
0x8a: {  	_ =	shalt  }

</sc_bundles>
